<compile_context>
chip_gen: v7x
topology: tpu7x:2x2x1
jax: 0.10.2.dev20260603
libtpu: 0.0.44.dev20260713+nightly
codegen_flags: <defaults>
</compile_context>

<pallas_src>
import functools

import jax
import jax.numpy as jnp
from jax import lax
from jax.experimental import pallas as pl
from jax.experimental.pallas import tpu as pltpu
from jax.experimental.pallas import tpu_sc as plsc

VOCAB = 100000
EMBED_DIM = 128
BATCH = 4096
SEQ = 200

NC = 2
NS = 16
NW = NC * NS

TOTAL = BATCH * SEQ
B_PER_W = TOTAL // NW
GATHER = 128
K = 2
GROUP = K * GATHER
N_GATHERS = B_PER_W // GATHER
N_GROUPS = B_PER_W // GROUP
NBUF = 3


def _build_kernel():
  mesh = plsc.VectorSubcoreMesh(
      core_axis_name="c", subcore_axis_name="s",
      num_cores=NC, num_subcores=NS)

  @functools.partial(
      pl.kernel,
      out_type=jax.ShapeDtypeStruct((TOTAL, EMBED_DIM), jnp.float32),
      mesh=mesh,
      scratch_types=[
          pltpu.VMEM((N_GATHERS, GATHER), jnp.int32),
          pltpu.VMEM((NBUF, GROUP, EMBED_DIM), jnp.float32),
          pltpu.SemaphoreType.DMA,
          pltpu.SemaphoreType.DMA,
      ],
  )
  def k(idx_hbm, table_hbm, out_hbm, idx_v, rows_v, gsem, osem):
    wid = lax.axis_index("s") * NC + lax.axis_index("c")
    gather_base = wid * N_GATHERS

    pltpu.sync_copy(idx_hbm.at[pl.ds(gather_base, N_GATHERS)], idx_v)

    def gather_copy(g):
      b = lax.rem(lax.div(g, K), NBUF)
      h = lax.rem(g, K)
      return pltpu.make_async_copy(
          table_hbm.at[idx_v.at[g]],
          rows_v.at[b].at[pl.ds(h * GATHER, GATHER)], gsem)

    def write_copy(j):
      b = lax.rem(j, NBUF)
      return pltpu.make_async_copy(
          rows_v.at[b],
          out_hbm.at[pl.ds((wid * N_GROUPS + j) * GROUP, GROUP)], osem)

    for g in range(K):
      gather_copy(g).start()

    def body(j, _):
      @pl.when(j + 1 < N_GROUPS)
      def _():
        @pl.when(j >= NBUF - 1)
        def _():
          write_copy(j - (NBUF - 1)).wait()
        for h in range(K):
          gather_copy((j + 1) * K + h).start()
      for h in range(K):
        gather_copy(j * K + h).wait()
      write_copy(j).start()
      return 0

    lax.fori_loop(0, N_GROUPS, body, 0, unroll=2)
    for j in range(N_GROUPS - NBUF, N_GROUPS):
      write_copy(j).wait()

  return k


_kernel = _build_kernel()


@jax.jit
def kernel(x, table):
  idx = x.astype(jnp.int32).reshape(TOTAL // GATHER, GATHER)
  out = _kernel(idx, table)
  return out.reshape(BATCH, SEQ, EMBED_DIM)

# --- scband reference (transcript-rebuilt; emitter-appended) ---
"""Pipeline reference for scband-input-embedding-12197707121055 (READ-ONLY COPY).

The authoritative reference and input builder live on the scoring server;
editing this copy changes nothing except your own understanding.
"""

import jax, jax.numpy as jnp
import numpy as np

VOCAB = 100000
EMBED_DIM = 128
BATCH = 4096
SEQ = 200

def setup_inputs(seed: int = 0) -> dict:
    key = jax.random.key(seed)
    k_idx, k_tab = jax.random.split(key)
    x = jax.random.randint(k_idx, (BATCH, SEQ), 0, VOCAB, dtype=jnp.int64)
    # nn.Embedding default init: N(0, 1)
    table = jax.random.normal(k_tab, (VOCAB, EMBED_DIM), dtype=jnp.float32)
    return {"x": x, "table": table}

def reference(x, table):
    # InputEmbedding.forward: self.embedding(x) -> gather rows of the table
    return jnp.take(table, x, axis=0)

if __name__ == "__main__":
    import jax
    _d = setup_inputs()
    print(jax.jit(kernel)(*tuple(_d.values())))

</pallas_src>

<mosaic_0001>
#map = affine_map<(d0, d1) -> (0, 0)>
module attributes {stable_mosaic.version = 14 : i64} {
  func.func @k(%arg0: i32, %arg1: i32, %arg2: memref<6400x128xi32, #tpu.memory_space<hbm>>, %arg3: memref<100000x128xf32, #tpu.memory_space<hbm>>, %arg4: memref<819200x128xf32, #tpu.memory_space<hbm>>, %arg5: memref<200x128xi32, #tpu.memory_space<vmem>>, %arg6: memref<3x256x128xf32, #tpu.memory_space<vmem>>, %arg7: memref<!tpu.dma_semaphore, #tpu.memory_space<semaphore_mem>>, %arg8: memref<!tpu.dma_semaphore, #tpu.memory_space<semaphore_mem>>) attributes {dimension_semantics = [#tpu.dimension_semantics<core_parallel>, #tpu.dimension_semantics<subcore_parallel>], iteration_bounds = array<i64: 2, 16>, scalar_prefetch = 0 : i64, scratch_operands = 4 : i64, tpu.core_type = #tpu.core_type<sc_vector_subcore>, window_params = [{transform_indices = #map}, {transform_indices = #map}, {transform_indices = #map}]} {
    %mul3A = arith.constant 2 : i32
    %mul3A_0 = arith.muli %arg1, %mul3A : i32
    %add3A = arith.addi %mul3A_0, %arg0 : i32
    %mul3A_1 = arith.constant 200 : i32
    %mul3A_2 = arith.muli %add3A, %mul3A_1 : i32
    "tpu.region"() ({
      %run_scoped3A = tpu.sem_alloc : memref<!tpu.dma_semaphore, #tpu.memory_space<semaphore_mem>>
      %dma_start3A_114 = arith.constant 0 : i32
      %dma_start3A_115 = tpu.memref_slice %arg2[%mul3A_2, %dma_start3A_114] : memref<6400x128xi32, #tpu.memory_space<hbm>> -> memref<200x128xi32, #tpu.memory_space<hbm>>
      %dma_start3A_116 = arith.constant 0 : i32
      %dma_start3A_117 = tpu.memref_slice %arg2[%mul3A_2, %dma_start3A_116] : memref<6400x128xi32, #tpu.memory_space<hbm>> -> memref<200x128xi32, #tpu.memory_space<hbm>>
      tpu.enqueue_dma source(%dma_start3A_117 : memref<200x128xi32, #tpu.memory_space<hbm>>) target(%arg5 : memref<200x128xi32, #tpu.memory_space<vmem>>) target_semaphore(%run_scoped3A : memref<!tpu.dma_semaphore, #tpu.memory_space<semaphore_mem>>)
      %dma_wait3A_118 = arith.constant 0 : i32
      %dma_wait3A_119 = tpu.memref_slice %arg2[%mul3A_2, %dma_wait3A_118] : memref<6400x128xi32, #tpu.memory_space<hbm>> -> memref<200x128xi32, #tpu.memory_space<hbm>>
      %dma_wait3A_120 = arith.constant 0 : i32
      %dma_wait3A_121 = tpu.memref_slice %arg2[%mul3A_2, %dma_wait3A_120] : memref<6400x128xi32, #tpu.memory_space<hbm>> -> memref<200x128xi32, #tpu.memory_space<hbm>>
      tpu.wait_dma2 semaphore(%run_scoped3A : memref<!tpu.dma_semaphore, #tpu.memory_space<semaphore_mem>>) src(%dma_wait3A_121 : memref<200x128xi32, #tpu.memory_space<hbm>>) dst(%arg5 : memref<200x128xi32, #tpu.memory_space<vmem>>)
      tpu.yield
    }) : () -> ()
    %div3A = arith.constant 0 : i32
    %div3A_3 = arith.constant 2 : i32
    %div3A_4 = arith.divsi %div3A, %div3A_3 : i32
    %rem3A = arith.constant 3 : i32
    %rem3A_5 = arith.remsi %div3A_4, %rem3A : i32
    %rem3A_6 = arith.constant 0 : i32
    %rem3A_7 = arith.constant 2 : i32
    %rem3A_8 = arith.remsi %rem3A_6, %rem3A_7 : i32
    %mul3A_9 = arith.constant 128 : i32
    %mul3A_10 = arith.muli %rem3A_8, %mul3A_9 : i32
    %dma_start3A = arith.constant 0 : i32
    %dma_start3A_11 = arith.constant 0 : i32
    %dma_start3A_12 = arith.constant 0 : i32
    %dma_start3A_13 = tpu.memref_slice %arg6[%rem3A_5, %dma_start3A_11, %dma_start3A_12] : memref<3x256x128xf32, #tpu.memory_space<vmem>> -> memref<1x256x128xf32, #tpu.memory_space<vmem>>
    %dma_start3A_14 = tpu.memref_squeeze %dma_start3A_13 : memref<1x256x128xf32, #tpu.memory_space<vmem>> -> memref<256x128xf32, #tpu.memory_space<vmem>>
    %dma_start3A_15 = arith.constant 0 : i32
    %dma_start3A_16 = tpu.memref_slice %dma_start3A_14[%mul3A_10, %dma_start3A_15] : memref<256x128xf32, #tpu.memory_space<vmem>> -> memref<128x128xf32, #tpu.memory_space<vmem>>
    %dma_start3A_17 = arith.constant 0 : i32
    %dma_start3A_18 = tpu.memref_slice %arg5[%dma_start3A, %dma_start3A_17] : memref<200x128xi32, #tpu.memory_space<vmem>> -> memref<1x128xi32, #tpu.memory_space<vmem>>
    %dma_start3A_19 = tpu.memref_squeeze %dma_start3A_18 : memref<1x128xi32, #tpu.memory_space<vmem>> -> memref<128xi32, #tpu.memory_space<vmem>>
    %dma_start3A_20 = arith.constant 0 : i32
    %dma_start3A_21 = arith.constant 0 : i32
    %dma_start3A_22 = tpu.memref_slice %arg3[%dma_start3A_20, %dma_start3A_21] : memref<100000x128xf32, #tpu.memory_space<hbm>> -> memref<100000x128xf32, #tpu.memory_space<hbm>>
    tpu.enqueue_indirect_dma source(%dma_start3A_22 : memref<100000x128xf32, #tpu.memory_space<hbm>>) target(%dma_start3A_16 : memref<128x128xf32, #tpu.memory_space<vmem>>) offsets(%dma_start3A_19 : memref<128xi32, #tpu.memory_space<vmem>>) semaphore(%arg7 : memref<!tpu.dma_semaphore, #tpu.memory_space<semaphore_mem>>)
    %div3A_23 = arith.constant 1 : i32
    %div3A_24 = arith.constant 2 : i32
    %div3A_25 = arith.divsi %div3A_23, %div3A_24 : i32
    %rem3A_26 = arith.constant 3 : i32
    %rem3A_27 = arith.remsi %div3A_25, %rem3A_26 : i32
    %rem3A_28 = arith.constant 1 : i32
    %rem3A_29 = arith.constant 2 : i32
    %rem3A_30 = arith.remsi %rem3A_28, %rem3A_29 : i32
    %mul3A_31 = arith.constant 128 : i32
    %mul3A_32 = arith.muli %rem3A_30, %mul3A_31 : i32
    %dma_start3A_33 = arith.constant 1 : i32
    %dma_start3A_34 = arith.constant 0 : i32
    %dma_start3A_35 = arith.constant 0 : i32
    %dma_start3A_36 = tpu.memref_slice %arg6[%rem3A_27, %dma_start3A_34, %dma_start3A_35] : memref<3x256x128xf32, #tpu.memory_space<vmem>> -> memref<1x256x128xf32, #tpu.memory_space<vmem>>
    %dma_start3A_37 = tpu.memref_squeeze %dma_start3A_36 : memref<1x256x128xf32, #tpu.memory_space<vmem>> -> memref<256x128xf32, #tpu.memory_space<vmem>>
    %dma_start3A_38 = arith.constant 0 : i32
    %dma_start3A_39 = tpu.memref_slice %dma_start3A_37[%mul3A_32, %dma_start3A_38] : memref<256x128xf32, #tpu.memory_space<vmem>> -> memref<128x128xf32, #tpu.memory_space<vmem>>
    %dma_start3A_40 = arith.constant 0 : i32
    %dma_start3A_41 = tpu.memref_slice %arg5[%dma_start3A_33, %dma_start3A_40] : memref<200x128xi32, #tpu.memory_space<vmem>> -> memref<1x128xi32, #tpu.memory_space<vmem>>
    %dma_start3A_42 = tpu.memref_squeeze %dma_start3A_41 : memref<1x128xi32, #tpu.memory_space<vmem>> -> memref<128xi32, #tpu.memory_space<vmem>>
    %dma_start3A_43 = arith.constant 0 : i32
    %dma_start3A_44 = arith.constant 0 : i32
    %dma_start3A_45 = tpu.memref_slice %arg3[%dma_start3A_43, %dma_start3A_44] : memref<100000x128xf32, #tpu.memory_space<hbm>> -> memref<100000x128xf32, #tpu.memory_space<hbm>>
    tpu.enqueue_indirect_dma source(%dma_start3A_45 : memref<100000x128xf32, #tpu.memory_space<hbm>>) target(%dma_start3A_39 : memref<128x128xf32, #tpu.memory_space<vmem>>) offsets(%dma_start3A_42 : memref<128xi32, #tpu.memory_space<vmem>>) semaphore(%arg7 : memref<!tpu.dma_semaphore, #tpu.memory_space<semaphore_mem>>)
    %scan3A = arith.constant 0 : i32
    %scan3A_46 = arith.constant 0 : i32
    %scan3A_47 = arith.constant 100 : i32
    %scan3A_48 = arith.addi %scan3A_46, %scan3A_47 : i32
    %scan3A_49 = arith.constant 2 : i32
    %scan3A_50 = scf.for %scan3A_114 = %scan3A_46 to %scan3A_48 step %scan3A_49 iter_args(%scan3A_115 = %scan3A) -> (i32)  : i32 {
      %add3A_116 = arith.constant 1 : i32
      %add3A_117 = arith.addi %scan3A_114, %add3A_116 : i32
      %lt3A = arith.constant 100 : i32
      %lt3A_118 = arith.cmpi slt, %add3A_117, %lt3A : i32
      %convert_element_type3A = arith.extui %lt3A_118 : i1 to i32
      %cond3A = arith.constant 0 : i32
      %cond3A_119 = arith.cmpi ne, %convert_element_type3A, %cond3A : i32
      scf.if %cond3A_119 {
        %ge3A = arith.constant 2 : i32
        %ge3A_265 = arith.cmpi sge, %scan3A_114, %ge3A : i32
        %convert_element_type3A_266 = arith.extui %ge3A_265 : i1 to i32
        %cond3A_267 = arith.constant 0 : i32
        %cond3A_268 = arith.cmpi ne, %convert_element_type3A_266, %cond3A_267 : i32
        scf.if %cond3A_268 {
          %sub3A = arith.constant 2 : i32
          %sub3A_321 = arith.subi %scan3A_114, %sub3A : i32
          %rem3A_322 = arith.constant 3 : i32
          %rem3A_323 = arith.remsi %sub3A_321, %rem3A_322 : i32
          %mul3A_324 = arith.constant 100 : i32
          %mul3A_325 = arith.muli %add3A, %mul3A_324 : i32
          %add3A_326 = arith.addi %mul3A_325, %sub3A_321 : i32
          %mul3A_327 = arith.constant 256 : i32
          %mul3A_328 = arith.muli %add3A_326, %mul3A_327 : i32
          %dma_wait3A_329 = arith.constant 0 : i32
          %dma_wait3A_330 = arith.constant 0 : i32
          %dma_wait3A_331 = tpu.memref_slice %arg6[%rem3A_323, %dma_wait3A_329, %dma_wait3A_330] : memref<3x256x128xf32, #tpu.memory_space<vmem>> -> memref<1x256x128xf32, #tpu.memory_space<vmem>>
          %dma_wait3A_332 = tpu.memref_squeeze %dma_wait3A_331 : memref<1x256x128xf32, #tpu.memory_space<vmem>> -> memref<256x128xf32, #tpu.memory_space<vmem>>
          %dma_wait3A_333 = arith.constant 0 : i32
          %dma_wait3A_334 = tpu.memref_slice %arg4[%mul3A_328, %dma_wait3A_333] : memref<819200x128xf32, #tpu.memory_space<hbm>> -> memref<256x128xf32, #tpu.memory_space<hbm>>
          %dma_wait3A_335 = arith.constant 0 : i32
          %dma_wait3A_336 = tpu.memref_slice %arg4[%mul3A_328, %dma_wait3A_335] : memref<819200x128xf32, #tpu.memory_space<hbm>> -> memref<256x128xf32, #tpu.memory_space<hbm>>
          %dma_wait3A_337 = arith.constant 0 : i32
          %dma_wait3A_338 = arith.constant 0 : i32
          %dma_wait3A_339 = tpu.memref_slice %arg6[%rem3A_323, %dma_wait3A_337, %dma_wait3A_338] : memref<3x256x128xf32, #tpu.memory_space<vmem>> -> memref<1x256x128xf32, #tpu.memory_space<vmem>>
          %dma_wait3A_340 = tpu.memref_squeeze %dma_wait3A_339 : memref<1x256x128xf32, #tpu.memory_space<vmem>> -> memref<256x128xf32, #tpu.memory_space<vmem>>
          tpu.wait_dma2 semaphore(%arg8 : memref<!tpu.dma_semaphore, #tpu.memory_space<semaphore_mem>>) src(%dma_wait3A_340 : memref<256x128xf32, #tpu.memory_space<vmem>>) dst(%dma_wait3A_336 : memref<256x128xf32, #tpu.memory_space<hbm>>)
        } else {
        }
        %add3A_269 = arith.constant 1 : i32
        %add3A_270 = arith.addi %scan3A_114, %add3A_269 : i32
        %mul3A_271 = arith.constant 2 : i32
        %mul3A_272 = arith.muli %add3A_270, %mul3A_271 : i32
        %add3A_273 = arith.constant 0 : i32
        %add3A_274 = arith.addi %mul3A_272, %add3A_273 : i32
        %div3A_275 = arith.constant 2 : i32
        %div3A_276 = arith.divsi %add3A_274, %div3A_275 : i32
        %rem3A_277 = arith.constant 3 : i32
        %rem3A_278 = arith.remsi %div3A_276, %rem3A_277 : i32
        %rem3A_279 = arith.constant 2 : i32
        %rem3A_280 = arith.remsi %add3A_274, %rem3A_279 : i32
        %mul3A_281 = arith.constant 128 : i32
        %mul3A_282 = arith.muli %rem3A_280, %mul3A_281 : i32
        %dma_start3A_283 = arith.constant 0 : i32
        %dma_start3A_284 = arith.constant 0 : i32
        %dma_start3A_285 = tpu.memref_slice %arg6[%rem3A_278, %dma_start3A_283, %dma_start3A_284] : memref<3x256x128xf32, #tpu.memory_space<vmem>> -> memref<1x256x128xf32, #tpu.memory_space<vmem>>
        %dma_start3A_286 = tpu.memref_squeeze %dma_start3A_285 : memref<1x256x128xf32, #tpu.memory_space<vmem>> -> memref<256x128xf32, #tpu.memory_space<vmem>>
        %dma_start3A_287 = arith.constant 0 : i32
        %dma_start3A_288 = tpu.memref_slice %dma_start3A_286[%mul3A_282, %dma_start3A_287] : memref<256x128xf32, #tpu.memory_space<vmem>> -> memref<128x128xf32, #tpu.memory_space<vmem>>
        %dma_start3A_289 = arith.constant 0 : i32
        %dma_start3A_290 = tpu.memref_slice %arg5[%add3A_274, %dma_start3A_289] : memref<200x128xi32, #tpu.memory_space<vmem>> -> memref<1x128xi32, #tpu.memory_space<vmem>>
        %dma_start3A_291 = tpu.memref_squeeze %dma_start3A_290 : memref<1x128xi32, #tpu.memory_space<vmem>> -> memref<128xi32, #tpu.memory_space<vmem>>
        %dma_start3A_292 = arith.constant 0 : i32
        %dma_start3A_293 = arith.constant 0 : i32
        %dma_start3A_294 = tpu.memref_slice %arg3[%dma_start3A_292, %dma_start3A_293] : memref<100000x128xf32, #tpu.memory_space<hbm>> -> memref<100000x128xf32, #tpu.memory_space<hbm>>
        tpu.enqueue_indirect_dma source(%dma_start3A_294 : memref<100000x128xf32, #tpu.memory_space<hbm>>) target(%dma_start3A_288 : memref<128x128xf32, #tpu.memory_space<vmem>>) offsets(%dma_start3A_291 : memref<128xi32, #tpu.memory_space<vmem>>) semaphore(%arg7 : memref<!tpu.dma_semaphore, #tpu.memory_space<semaphore_mem>>)
        %add3A_295 = arith.constant 1 : i32
        %add3A_296 = arith.addi %scan3A_114, %add3A_295 : i32
        %mul3A_297 = arith.constant 2 : i32
        %mul3A_298 = arith.muli %add3A_296, %mul3A_297 : i32
        %add3A_299 = arith.constant 1 : i32
        %add3A_300 = arith.addi %mul3A_298, %add3A_299 : i32
        %div3A_301 = arith.constant 2 : i32
        %div3A_302 = arith.divsi %add3A_300, %div3A_301 : i32
        %rem3A_303 = arith.constant 3 : i32
        %rem3A_304 = arith.remsi %div3A_302, %rem3A_303 : i32
        %rem3A_305 = arith.constant 2 : i32
        %rem3A_306 = arith.remsi %add3A_300, %rem3A_305 : i32
        %mul3A_307 = arith.constant 128 : i32
        %mul3A_308 = arith.muli %rem3A_306, %mul3A_307 : i32
        %dma_start3A_309 = arith.constant 0 : i32
        %dma_start3A_310 = arith.constant 0 : i32
        %dma_start3A_311 = tpu.memref_slice %arg6[%rem3A_304, %dma_start3A_309, %dma_start3A_310] : memref<3x256x128xf32, #tpu.memory_space<vmem>> -> memref<1x256x128xf32, #tpu.memory_space<vmem>>
        %dma_start3A_312 = tpu.memref_squeeze %dma_start3A_311 : memref<1x256x128xf32, #tpu.memory_space<vmem>> -> memref<256x128xf32, #tpu.memory_space<vmem>>
        %dma_start3A_313 = arith.constant 0 : i32
        %dma_start3A_314 = tpu.memref_slice %dma_start3A_312[%mul3A_308, %dma_start3A_313] : memref<256x128xf32, #tpu.memory_space<vmem>> -> memref<128x128xf32, #tpu.memory_space<vmem>>
        %dma_start3A_315 = arith.constant 0 : i32
        %dma_start3A_316 = tpu.memref_slice %arg5[%add3A_300, %dma_start3A_315] : memref<200x128xi32, #tpu.memory_space<vmem>> -> memref<1x128xi32, #tpu.memory_space<vmem>>
        %dma_start3A_317 = tpu.memref_squeeze %dma_start3A_316 : memref<1x128xi32, #tpu.memory_space<vmem>> -> memref<128xi32, #tpu.memory_space<vmem>>
        %dma_start3A_318 = arith.constant 0 : i32
        %dma_start3A_319 = arith.constant 0 : i32
        %dma_start3A_320 = tpu.memref_slice %arg3[%dma_start3A_318, %dma_start3A_319] : memref<100000x128xf32, #tpu.memory_space<hbm>> -> memref<100000x128xf32, #tpu.memory_space<hbm>>
        tpu.enqueue_indirect_dma source(%dma_start3A_320 : memref<100000x128xf32, #tpu.memory_space<hbm>>) target(%dma_start3A_314 : memref<128x128xf32, #tpu.memory_space<vmem>>) offsets(%dma_start3A_317 : memref<128xi32, #tpu.memory_space<vmem>>) semaphore(%arg7 : memref<!tpu.dma_semaphore, #tpu.memory_space<semaphore_mem>>)
      } else {
      }
      %mul3A_120 = arith.constant 2 : i32
      %mul3A_121 = arith.muli %scan3A_114, %mul3A_120 : i32
      %add3A_122 = arith.constant 0 : i32
      %add3A_123 = arith.addi %mul3A_121, %add3A_122 : i32
      %div3A_124 = arith.constant 2 : i32
      %div3A_125 = arith.divsi %add3A_123, %div3A_124 : i32
      %rem3A_126 = arith.constant 3 : i32
      %rem3A_127 = arith.remsi %div3A_125, %rem3A_126 : i32
      %rem3A_128 = arith.constant 2 : i32
      %rem3A_129 = arith.remsi %add3A_123, %rem3A_128 : i32
      %mul3A_130 = arith.constant 128 : i32
      %mul3A_131 = arith.muli %rem3A_129, %mul3A_130 : i32
      %dma_wait3A_132 = arith.constant 0 : i32
      %dma_wait3A_133 = arith.constant 0 : i32
      %dma_wait3A_134 = tpu.memref_slice %arg6[%rem3A_127, %dma_wait3A_132, %dma_wait3A_133] : memref<3x256x128xf32, #tpu.memory_space<vmem>> -> memref<1x256x128xf32, #tpu.memory_space<vmem>>
      %dma_wait3A_135 = tpu.memref_squeeze %dma_wait3A_134 : memref<1x256x128xf32, #tpu.memory_space<vmem>> -> memref<256x128xf32, #tpu.memory_space<vmem>>
      %dma_wait3A_136 = arith.constant 0 : i32
      %dma_wait3A_137 = tpu.memref_slice %dma_wait3A_135[%mul3A_131, %dma_wait3A_136] : memref<256x128xf32, #tpu.memory_space<vmem>> -> memref<128x128xf32, #tpu.memory_space<vmem>>
      %dma_wait3A_138 = arith.constant 0 : i32
      %dma_wait3A_139 = tpu.memref_slice %arg5[%add3A_123, %dma_wait3A_138] : memref<200x128xi32, #tpu.memory_space<vmem>> -> memref<1x128xi32, #tpu.memory_space<vmem>>
      %dma_wait3A_140 = tpu.memref_squeeze %dma_wait3A_139 : memref<1x128xi32, #tpu.memory_space<vmem>> -> memref<128xi32, #tpu.memory_space<vmem>>
      %dma_wait3A_141 = arith.constant 0 : i32
      %dma_wait3A_142 = arith.constant 0 : i32
      %dma_wait3A_143 = tpu.memref_slice %arg3[%dma_wait3A_141, %dma_wait3A_142] : memref<100000x128xf32, #tpu.memory_space<hbm>> -> memref<100000x128xf32, #tpu.memory_space<hbm>>
      tpu.wait_indirect_dma semaphore(%arg7 : memref<!tpu.dma_semaphore, #tpu.memory_space<semaphore_mem>>) src(%dma_wait3A_143 : memref<100000x128xf32, #tpu.memory_space<hbm>>) dst(%dma_wait3A_137 : memref<128x128xf32, #tpu.memory_space<vmem>>)
      %mul3A_144 = arith.constant 2 : i32
      %mul3A_145 = arith.muli %scan3A_114, %mul3A_144 : i32
      %add3A_146 = arith.constant 1 : i32
      %add3A_147 = arith.addi %mul3A_145, %add3A_146 : i32
      %div3A_148 = arith.constant 2 : i32
      %div3A_149 = arith.divsi %add3A_147, %div3A_148 : i32
      %rem3A_150 = arith.constant 3 : i32
      %rem3A_151 = arith.remsi %div3A_149, %rem3A_150 : i32
      %rem3A_152 = arith.constant 2 : i32
      %rem3A_153 = arith.remsi %add3A_147, %rem3A_152 : i32
      %mul3A_154 = arith.constant 128 : i32
      %mul3A_155 = arith.muli %rem3A_153, %mul3A_154 : i32
      %dma_wait3A_156 = arith.constant 0 : i32
      %dma_wait3A_157 = arith.constant 0 : i32
      %dma_wait3A_158 = tpu.memref_slice %arg6[%rem3A_151, %dma_wait3A_156, %dma_wait3A_157] : memref<3x256x128xf32, #tpu.memory_space<vmem>> -> memref<1x256x128xf32, #tpu.memory_space<vmem>>
      %dma_wait3A_159 = tpu.memref_squeeze %dma_wait3A_158 : memref<1x256x128xf32, #tpu.memory_space<vmem>> -> memref<256x128xf32, #tpu.memory_space<vmem>>
      %dma_wait3A_160 = arith.constant 0 : i32
      %dma_wait3A_161 = tpu.memref_slice %dma_wait3A_159[%mul3A_155, %dma_wait3A_160] : memref<256x128xf32, #tpu.memory_space<vmem>> -> memref<128x128xf32, #tpu.memory_space<vmem>>
      %dma_wait3A_162 = arith.constant 0 : i32
      %dma_wait3A_163 = tpu.memref_slice %arg5[%add3A_147, %dma_wait3A_162] : memref<200x128xi32, #tpu.memory_space<vmem>> -> memref<1x128xi32, #tpu.memory_space<vmem>>
      %dma_wait3A_164 = tpu.memref_squeeze %dma_wait3A_163 : memref<1x128xi32, #tpu.memory_space<vmem>> -> memref<128xi32, #tpu.memory_space<vmem>>
      %dma_wait3A_165 = arith.constant 0 : i32
      %dma_wait3A_166 = arith.constant 0 : i32
      %dma_wait3A_167 = tpu.memref_slice %arg3[%dma_wait3A_165, %dma_wait3A_166] : memref<100000x128xf32, #tpu.memory_space<hbm>> -> memref<100000x128xf32, #tpu.memory_space<hbm>>
      tpu.wait_indirect_dma semaphore(%arg7 : memref<!tpu.dma_semaphore, #tpu.memory_space<semaphore_mem>>) src(%dma_wait3A_167 : memref<100000x128xf32, #tpu.memory_space<hbm>>) dst(%dma_wait3A_161 : memref<128x128xf32, #tpu.memory_space<vmem>>)
      %rem3A_168 = arith.constant 3 : i32
      %rem3A_169 = arith.remsi %scan3A_114, %rem3A_168 : i32
      %mul3A_170 = arith.constant 100 : i32
      %mul3A_171 = arith.muli %add3A, %mul3A_170 : i32
      %add3A_172 = arith.addi %mul3A_171, %scan3A_114 : i32
      %mul3A_173 = arith.constant 256 : i32
      %mul3A_174 = arith.muli %add3A_172, %mul3A_173 : i32
      %dma_start3A_175 = arith.constant 0 : i32
      %dma_start3A_176 = arith.constant 0 : i32
      %dma_start3A_177 = tpu.memref_slice %arg6[%rem3A_169, %dma_start3A_175, %dma_start3A_176] : memref<3x256x128xf32, #tpu.memory_space<vmem>> -> memref<1x256x128xf32, #tpu.memory_space<vmem>>
      %dma_start3A_178 = tpu.memref_squeeze %dma_start3A_177 : memref<1x256x128xf32, #tpu.memory_space<vmem>> -> memref<256x128xf32, #tpu.memory_space<vmem>>
      %dma_start3A_179 = arith.constant 0 : i32
      %dma_start3A_180 = tpu.memref_slice %arg4[%mul3A_174, %dma_start3A_179] : memref<819200x128xf32, #tpu.memory_space<hbm>> -> memref<256x128xf32, #tpu.memory_space<hbm>>
      %dma_start3A_181 = arith.constant 0 : i32
      %dma_start3A_182 = tpu.memref_slice %arg4[%mul3A_174, %dma_start3A_181] : memref<819200x128xf32, #tpu.memory_space<hbm>> -> memref<256x128xf32, #tpu.memory_space<hbm>>
      %dma_start3A_183 = arith.constant 0 : i32
      %dma_start3A_184 = arith.constant 0 : i32
      %dma_start3A_185 = tpu.memref_slice %arg6[%rem3A_169, %dma_start3A_183, %dma_start3A_184] : memref<3x256x128xf32, #tpu.memory_space<vmem>> -> memref<1x256x128xf32, #tpu.memory_space<vmem>>
      %dma_start3A_186 = tpu.memref_squeeze %dma_start3A_185 : memref<1x256x128xf32, #tpu.memory_space<vmem>> -> memref<256x128xf32, #tpu.memory_space<vmem>>
      tpu.enqueue_dma source(%dma_start3A_186 : memref<256x128xf32, #tpu.memory_space<vmem>>) target(%dma_start3A_182 : memref<256x128xf32, #tpu.memory_space<hbm>>) target_semaphore(%arg8 : memref<!tpu.dma_semaphore, #tpu.memory_space<semaphore_mem>>)
      %scan3A_187 = arith.constant 0 : i32
      %scan3A_188 = arith.constant 1 : i32
      %scan3A_189 = arith.addi %scan3A_114, %scan3A_188 : i32
      %add3A_190 = arith.constant 1 : i32
      %add3A_191 = arith.addi %scan3A_189, %add3A_190 : i32
      %lt3A_192 = arith.constant 100 : i32
      %lt3A_193 = arith.cmpi slt, %add3A_191, %lt3A_192 : i32
      %convert_element_type3A_194 = arith.extui %lt3A_193 : i1 to i32
      %cond3A_195 = arith.constant 0 : i32
      %cond3A_196 = arith.cmpi ne, %convert_element_type3A_194, %cond3A_195 : i32
      scf.if %cond3A_196 {
        %ge3A = arith.constant 2 : i32
        %ge3A_265 = arith.cmpi sge, %scan3A_189, %ge3A : i32
        %convert_element_type3A_266 = arith.extui %ge3A_265 : i1 to i32
        %cond3A_267 = arith.constant 0 : i32
        %cond3A_268 = arith.cmpi ne, %convert_element_type3A_266, %cond3A_267 : i32
        scf.if %cond3A_268 {
          %sub3A = arith.constant 2 : i32
          %sub3A_321 = arith.subi %scan3A_189, %sub3A : i32
          %rem3A_322 = arith.constant 3 : i32
          %rem3A_323 = arith.remsi %sub3A_321, %rem3A_322 : i32
          %mul3A_324 = arith.constant 100 : i32
          %mul3A_325 = arith.muli %add3A, %mul3A_324 : i32
          %add3A_326 = arith.addi %mul3A_325, %sub3A_321 : i32
          %mul3A_327 = arith.constant 256 : i32
          %mul3A_328 = arith.muli %add3A_326, %mul3A_327 : i32
          %dma_wait3A_329 = arith.constant 0 : i32
          %dma_wait3A_330 = arith.constant 0 : i32
          %dma_wait3A_331 = tpu.memref_slice %arg6[%rem3A_323, %dma_wait3A_329, %dma_wait3A_330] : memref<3x256x128xf32, #tpu.memory_space<vmem>> -> memref<1x256x128xf32, #tpu.memory_space<vmem>>
          %dma_wait3A_332 = tpu.memref_squeeze %dma_wait3A_331 : memref<1x256x128xf32, #tpu.memory_space<vmem>> -> memref<256x128xf32, #tpu.memory_space<vmem>>
          %dma_wait3A_333 = arith.constant 0 : i32
          %dma_wait3A_334 = tpu.memref_slice %arg4[%mul3A_328, %dma_wait3A_333] : memref<819200x128xf32, #tpu.memory_space<hbm>> -> memref<256x128xf32, #tpu.memory_space<hbm>>
          %dma_wait3A_335 = arith.constant 0 : i32
          %dma_wait3A_336 = tpu.memref_slice %arg4[%mul3A_328, %dma_wait3A_335] : memref<819200x128xf32, #tpu.memory_space<hbm>> -> memref<256x128xf32, #tpu.memory_space<hbm>>
          %dma_wait3A_337 = arith.constant 0 : i32
          %dma_wait3A_338 = arith.constant 0 : i32
          %dma_wait3A_339 = tpu.memref_slice %arg6[%rem3A_323, %dma_wait3A_337, %dma_wait3A_338] : memref<3x256x128xf32, #tpu.memory_space<vmem>> -> memref<1x256x128xf32, #tpu.memory_space<vmem>>
          %dma_wait3A_340 = tpu.memref_squeeze %dma_wait3A_339 : memref<1x256x128xf32, #tpu.memory_space<vmem>> -> memref<256x128xf32, #tpu.memory_space<vmem>>
          tpu.wait_dma2 semaphore(%arg8 : memref<!tpu.dma_semaphore, #tpu.memory_space<semaphore_mem>>) src(%dma_wait3A_340 : memref<256x128xf32, #tpu.memory_space<vmem>>) dst(%dma_wait3A_336 : memref<256x128xf32, #tpu.memory_space<hbm>>)
        } else {
        }
        %add3A_269 = arith.constant 1 : i32
        %add3A_270 = arith.addi %scan3A_189, %add3A_269 : i32
        %mul3A_271 = arith.constant 2 : i32
        %mul3A_272 = arith.muli %add3A_270, %mul3A_271 : i32
        %add3A_273 = arith.constant 0 : i32
        %add3A_274 = arith.addi %mul3A_272, %add3A_273 : i32
        %div3A_275 = arith.constant 2 : i32
        %div3A_276 = arith.divsi %add3A_274, %div3A_275 : i32
        %rem3A_277 = arith.constant 3 : i32
        %rem3A_278 = arith.remsi %div3A_276, %rem3A_277 : i32
        %rem3A_279 = arith.constant 2 : i32
        %rem3A_280 = arith.remsi %add3A_274, %rem3A_279 : i32
        %mul3A_281 = arith.constant 128 : i32
        %mul3A_282 = arith.muli %rem3A_280, %mul3A_281 : i32
        %dma_start3A_283 = arith.constant 0 : i32
        %dma_start3A_284 = arith.constant 0 : i32
        %dma_start3A_285 = tpu.memref_slice %arg6[%rem3A_278, %dma_start3A_283, %dma_start3A_284] : memref<3x256x128xf32, #tpu.memory_space<vmem>> -> memref<1x256x128xf32, #tpu.memory_space<vmem>>
        %dma_start3A_286 = tpu.memref_squeeze %dma_start3A_285 : memref<1x256x128xf32, #tpu.memory_space<vmem>> -> memref<256x128xf32, #tpu.memory_space<vmem>>
        %dma_start3A_287 = arith.constant 0 : i32
        %dma_start3A_288 = tpu.memref_slice %dma_start3A_286[%mul3A_282, %dma_start3A_287] : memref<256x128xf32, #tpu.memory_space<vmem>> -> memref<128x128xf32, #tpu.memory_space<vmem>>
        %dma_start3A_289 = arith.constant 0 : i32
        %dma_start3A_290 = tpu.memref_slice %arg5[%add3A_274, %dma_start3A_289] : memref<200x128xi32, #tpu.memory_space<vmem>> -> memref<1x128xi32, #tpu.memory_space<vmem>>
        %dma_start3A_291 = tpu.memref_squeeze %dma_start3A_290 : memref<1x128xi32, #tpu.memory_space<vmem>> -> memref<128xi32, #tpu.memory_space<vmem>>
        %dma_start3A_292 = arith.constant 0 : i32
        %dma_start3A_293 = arith.constant 0 : i32
        %dma_start3A_294 = tpu.memref_slice %arg3[%dma_start3A_292, %dma_start3A_293] : memref<100000x128xf32, #tpu.memory_space<hbm>> -> memref<100000x128xf32, #tpu.memory_space<hbm>>
        tpu.enqueue_indirect_dma source(%dma_start3A_294 : memref<100000x128xf32, #tpu.memory_space<hbm>>) target(%dma_start3A_288 : memref<128x128xf32, #tpu.memory_space<vmem>>) offsets(%dma_start3A_291 : memref<128xi32, #tpu.memory_space<vmem>>) semaphore(%arg7 : memref<!tpu.dma_semaphore, #tpu.memory_space<semaphore_mem>>)
        %add3A_295 = arith.constant 1 : i32
        %add3A_296 = arith.addi %scan3A_189, %add3A_295 : i32
        %mul3A_297 = arith.constant 2 : i32
        %mul3A_298 = arith.muli %add3A_296, %mul3A_297 : i32
        %add3A_299 = arith.constant 1 : i32
        %add3A_300 = arith.addi %mul3A_298, %add3A_299 : i32
        %div3A_301 = arith.constant 2 : i32
        %div3A_302 = arith.divsi %add3A_300, %div3A_301 : i32
        %rem3A_303 = arith.constant 3 : i32
        %rem3A_304 = arith.remsi %div3A_302, %rem3A_303 : i32
        %rem3A_305 = arith.constant 2 : i32
        %rem3A_306 = arith.remsi %add3A_300, %rem3A_305 : i32
        %mul3A_307 = arith.constant 128 : i32
        %mul3A_308 = arith.muli %rem3A_306, %mul3A_307 : i32
        %dma_start3A_309 = arith.constant 0 : i32
        %dma_start3A_310 = arith.constant 0 : i32
        %dma_start3A_311 = tpu.memref_slice %arg6[%rem3A_304, %dma_start3A_309, %dma_start3A_310] : memref<3x256x128xf32, #tpu.memory_space<vmem>> -> memref<1x256x128xf32, #tpu.memory_space<vmem>>
        %dma_start3A_312 = tpu.memref_squeeze %dma_start3A_311 : memref<1x256x128xf32, #tpu.memory_space<vmem>> -> memref<256x128xf32, #tpu.memory_space<vmem>>
        %dma_start3A_313 = arith.constant 0 : i32
        %dma_start3A_314 = tpu.memref_slice %dma_start3A_312[%mul3A_308, %dma_start3A_313] : memref<256x128xf32, #tpu.memory_space<vmem>> -> memref<128x128xf32, #tpu.memory_space<vmem>>
        %dma_start3A_315 = arith.constant 0 : i32
        %dma_start3A_316 = tpu.memref_slice %arg5[%add3A_300, %dma_start3A_315] : memref<200x128xi32, #tpu.memory_space<vmem>> -> memref<1x128xi32, #tpu.memory_space<vmem>>
        %dma_start3A_317 = tpu.memref_squeeze %dma_start3A_316 : memref<1x128xi32, #tpu.memory_space<vmem>> -> memref<128xi32, #tpu.memory_space<vmem>>
        %dma_start3A_318 = arith.constant 0 : i32
        %dma_start3A_319 = arith.constant 0 : i32
        %dma_start3A_320 = tpu.memref_slice %arg3[%dma_start3A_318, %dma_start3A_319] : memref<100000x128xf32, #tpu.memory_space<hbm>> -> memref<100000x128xf32, #tpu.memory_space<hbm>>
        tpu.enqueue_indirect_dma source(%dma_start3A_320 : memref<100000x128xf32, #tpu.memory_space<hbm>>) target(%dma_start3A_314 : memref<128x128xf32, #tpu.memory_space<vmem>>) offsets(%dma_start3A_317 : memref<128xi32, #tpu.memory_space<vmem>>) semaphore(%arg7 : memref<!tpu.dma_semaphore, #tpu.memory_space<semaphore_mem>>)
      } else {
      }
      %mul3A_197 = arith.constant 2 : i32
      %mul3A_198 = arith.muli %scan3A_189, %mul3A_197 : i32
      %add3A_199 = arith.constant 0 : i32
      %add3A_200 = arith.addi %mul3A_198, %add3A_199 : i32
      %div3A_201 = arith.constant 2 : i32
      %div3A_202 = arith.divsi %add3A_200, %div3A_201 : i32
      %rem3A_203 = arith.constant 3 : i32
      %rem3A_204 = arith.remsi %div3A_202, %rem3A_203 : i32
      %rem3A_205 = arith.constant 2 : i32
      %rem3A_206 = arith.remsi %add3A_200, %rem3A_205 : i32
      %mul3A_207 = arith.constant 128 : i32
      %mul3A_208 = arith.muli %rem3A_206, %mul3A_207 : i32
      %dma_wait3A_209 = arith.constant 0 : i32
      %dma_wait3A_210 = arith.constant 0 : i32
      %dma_wait3A_211 = tpu.memref_slice %arg6[%rem3A_204, %dma_wait3A_209, %dma_wait3A_210] : memref<3x256x128xf32, #tpu.memory_space<vmem>> -> memref<1x256x128xf32, #tpu.memory_space<vmem>>
      %dma_wait3A_212 = tpu.memref_squeeze %dma_wait3A_211 : memref<1x256x128xf32, #tpu.memory_space<vmem>> -> memref<256x128xf32, #tpu.memory_space<vmem>>
      %dma_wait3A_213 = arith.constant 0 : i32
      %dma_wait3A_214 = tpu.memref_slice %dma_wait3A_212[%mul3A_208, %dma_wait3A_213] : memref<256x128xf32, #tpu.memory_space<vmem>> -> memref<128x128xf32, #tpu.memory_space<vmem>>
      %dma_wait3A_215 = arith.constant 0 : i32
      %dma_wait3A_216 = tpu.memref_slice %arg5[%add3A_200, %dma_wait3A_215] : memref<200x128xi32, #tpu.memory_space<vmem>> -> memref<1x128xi32, #tpu.memory_space<vmem>>
      %dma_wait3A_217 = tpu.memref_squeeze %dma_wait3A_216 : memref<1x128xi32, #tpu.memory_space<vmem>> -> memref<128xi32, #tpu.memory_space<vmem>>
      %dma_wait3A_218 = arith.constant 0 : i32
      %dma_wait3A_219 = arith.constant 0 : i32
      %dma_wait3A_220 = tpu.memref_slice %arg3[%dma_wait3A_218, %dma_wait3A_219] : memref<100000x128xf32, #tpu.memory_space<hbm>> -> memref<100000x128xf32, #tpu.memory_space<hbm>>
      tpu.wait_indirect_dma semaphore(%arg7 : memref<!tpu.dma_semaphore, #tpu.memory_space<semaphore_mem>>) src(%dma_wait3A_220 : memref<100000x128xf32, #tpu.memory_space<hbm>>) dst(%dma_wait3A_214 : memref<128x128xf32, #tpu.memory_space<vmem>>)
      %mul3A_221 = arith.constant 2 : i32
      %mul3A_222 = arith.muli %scan3A_189, %mul3A_221 : i32
      %add3A_223 = arith.constant 1 : i32
      %add3A_224 = arith.addi %mul3A_222, %add3A_223 : i32
      %div3A_225 = arith.constant 2 : i32
      %div3A_226 = arith.divsi %add3A_224, %div3A_225 : i32
      %rem3A_227 = arith.constant 3 : i32
      %rem3A_228 = arith.remsi %div3A_226, %rem3A_227 : i32
      %rem3A_229 = arith.constant 2 : i32
      %rem3A_230 = arith.remsi %add3A_224, %rem3A_229 : i32
      %mul3A_231 = arith.constant 128 : i32
      %mul3A_232 = arith.muli %rem3A_230, %mul3A_231 : i32
      %dma_wait3A_233 = arith.constant 0 : i32
      %dma_wait3A_234 = arith.constant 0 : i32
      %dma_wait3A_235 = tpu.memref_slice %arg6[%rem3A_228, %dma_wait3A_233, %dma_wait3A_234] : memref<3x256x128xf32, #tpu.memory_space<vmem>> -> memref<1x256x128xf32, #tpu.memory_space<vmem>>
      %dma_wait3A_236 = tpu.memref_squeeze %dma_wait3A_235 : memref<1x256x128xf32, #tpu.memory_space<vmem>> -> memref<256x128xf32, #tpu.memory_space<vmem>>
      %dma_wait3A_237 = arith.constant 0 : i32
      %dma_wait3A_238 = tpu.memref_slice %dma_wait3A_236[%mul3A_232, %dma_wait3A_237] : memref<256x128xf32, #tpu.memory_space<vmem>> -> memref<128x128xf32, #tpu.memory_space<vmem>>
      %dma_wait3A_239 = arith.constant 0 : i32
      %dma_wait3A_240 = tpu.memref_slice %arg5[%add3A_224, %dma_wait3A_239] : memref<200x128xi32, #tpu.memory_space<vmem>> -> memref<1x128xi32, #tpu.memory_space<vmem>>
      %dma_wait3A_241 = tpu.memref_squeeze %dma_wait3A_240 : memref<1x128xi32, #tpu.memory_space<vmem>> -> memref<128xi32, #tpu.memory_space<vmem>>
      %dma_wait3A_242 = arith.constant 0 : i32
      %dma_wait3A_243 = arith.constant 0 : i32
      %dma_wait3A_244 = tpu.memref_slice %arg3[%dma_wait3A_242, %dma_wait3A_243] : memref<100000x128xf32, #tpu.memory_space<hbm>> -> memref<100000x128xf32, #tpu.memory_space<hbm>>
      tpu.wait_indirect_dma semaphore(%arg7 : memref<!tpu.dma_semaphore, #tpu.memory_space<semaphore_mem>>) src(%dma_wait3A_244 : memref<100000x128xf32, #tpu.memory_space<hbm>>) dst(%dma_wait3A_238 : memref<128x128xf32, #tpu.memory_space<vmem>>)
      %rem3A_245 = arith.constant 3 : i32
      %rem3A_246 = arith.remsi %scan3A_189, %rem3A_245 : i32
      %mul3A_247 = arith.constant 100 : i32
      %mul3A_248 = arith.muli %add3A, %mul3A_247 : i32
      %add3A_249 = arith.addi %mul3A_248, %scan3A_189 : i32
      %mul3A_250 = arith.constant 256 : i32
      %mul3A_251 = arith.muli %add3A_249, %mul3A_250 : i32
      %dma_start3A_252 = arith.constant 0 : i32
      %dma_start3A_253 = arith.constant 0 : i32
      %dma_start3A_254 = tpu.memref_slice %arg6[%rem3A_246, %dma_start3A_252, %dma_start3A_253] : memref<3x256x128xf32, #tpu.memory_space<vmem>> -> memref<1x256x128xf32, #tpu.memory_space<vmem>>
      %dma_start3A_255 = tpu.memref_squeeze %dma_start3A_254 : memref<1x256x128xf32, #tpu.memory_space<vmem>> -> memref<256x128xf32, #tpu.memory_space<vmem>>
      %dma_start3A_256 = arith.constant 0 : i32
      %dma_start3A_257 = tpu.memref_slice %arg4[%mul3A_251, %dma_start3A_256] : memref<819200x128xf32, #tpu.memory_space<hbm>> -> memref<256x128xf32, #tpu.memory_space<hbm>>
      %dma_start3A_258 = arith.constant 0 : i32
      %dma_start3A_259 = tpu.memref_slice %arg4[%mul3A_251, %dma_start3A_258] : memref<819200x128xf32, #tpu.memory_space<hbm>> -> memref<256x128xf32, #tpu.memory_space<hbm>>
      %dma_start3A_260 = arith.constant 0 : i32
      %dma_start3A_261 = arith.constant 0 : i32
      %dma_start3A_262 = tpu.memref_slice %arg6[%rem3A_246, %dma_start3A_260, %dma_start3A_261] : memref<3x256x128xf32, #tpu.memory_space<vmem>> -> memref<1x256x128xf32, #tpu.memory_space<vmem>>
      %dma_start3A_263 = tpu.memref_squeeze %dma_start3A_262 : memref<1x256x128xf32, #tpu.memory_space<vmem>> -> memref<256x128xf32, #tpu.memory_space<vmem>>
      tpu.enqueue_dma source(%dma_start3A_263 : memref<256x128xf32, #tpu.memory_space<vmem>>) target(%dma_start3A_259 : memref<256x128xf32, #tpu.memory_space<hbm>>) target_semaphore(%arg8 : memref<!tpu.dma_semaphore, #tpu.memory_space<semaphore_mem>>)
      %scan3A_264 = arith.constant 0 : i32
      scf.yield %scan3A_264 : i32
    }
    %scan3A_51 = arith.constant 100 : i32
    %rem3A_52 = arith.constant 97 : i32
    %rem3A_53 = arith.constant 3 : i32
    %rem3A_54 = arith.remsi %rem3A_52, %rem3A_53 : i32
    %mul3A_55 = arith.constant 100 : i32
    %mul3A_56 = arith.muli %add3A, %mul3A_55 : i32
    %add3A_57 = arith.constant 97 : i32
    %add3A_58 = arith.addi %mul3A_56, %add3A_57 : i32
    %mul3A_59 = arith.constant 256 : i32
    %mul3A_60 = arith.muli %add3A_58, %mul3A_59 : i32
    %dma_wait3A = arith.constant 0 : i32
    %dma_wait3A_61 = arith.constant 0 : i32
    %dma_wait3A_62 = tpu.memref_slice %arg6[%rem3A_54, %dma_wait3A, %dma_wait3A_61] : memref<3x256x128xf32, #tpu.memory_space<vmem>> -> memref<1x256x128xf32, #tpu.memory_space<vmem>>
    %dma_wait3A_63 = tpu.memref_squeeze %dma_wait3A_62 : memref<1x256x128xf32, #tpu.memory_space<vmem>> -> memref<256x128xf32, #tpu.memory_space<vmem>>
    %dma_wait3A_64 = arith.constant 0 : i32
    %dma_wait3A_65 = tpu.memref_slice %arg4[%mul3A_60, %dma_wait3A_64] : memref<819200x128xf32, #tpu.memory_space<hbm>> -> memref<256x128xf32, #tpu.memory_space<hbm>>
    %dma_wait3A_66 = arith.constant 0 : i32
    %dma_wait3A_67 = tpu.memref_slice %arg4[%mul3A_60, %dma_wait3A_66] : memref<819200x128xf32, #tpu.memory_space<hbm>> -> memref<256x128xf32, #tpu.memory_space<hbm>>
    %dma_wait3A_68 = arith.constant 0 : i32
    %dma_wait3A_69 = arith.constant 0 : i32
    %dma_wait3A_70 = tpu.memref_slice %arg6[%rem3A_54, %dma_wait3A_68, %dma_wait3A_69] : memref<3x256x128xf32, #tpu.memory_space<vmem>> -> memref<1x256x128xf32, #tpu.memory_space<vmem>>
    %dma_wait3A_71 = tpu.memref_squeeze %dma_wait3A_70 : memref<1x256x128xf32, #tpu.memory_space<vmem>> -> memref<256x128xf32, #tpu.memory_space<vmem>>
    tpu.wait_dma2 semaphore(%arg8 : memref<!tpu.dma_semaphore, #tpu.memory_space<semaphore_mem>>) src(%dma_wait3A_71 : memref<256x128xf32, #tpu.memory_space<vmem>>) dst(%dma_wait3A_67 : memref<256x128xf32, #tpu.memory_space<hbm>>)
    %rem3A_72 = arith.constant 98 : i32
    %rem3A_73 = arith.constant 3 : i32
    %rem3A_74 = arith.remsi %rem3A_72, %rem3A_73 : i32
    %mul3A_75 = arith.constant 100 : i32
    %mul3A_76 = arith.muli %add3A, %mul3A_75 : i32
    %add3A_77 = arith.constant 98 : i32
    %add3A_78 = arith.addi %mul3A_76, %add3A_77 : i32
    %mul3A_79 = arith.constant 256 : i32
    %mul3A_80 = arith.muli %add3A_78, %mul3A_79 : i32
    %dma_wait3A_81 = arith.constant 0 : i32
    %dma_wait3A_82 = arith.constant 0 : i32
    %dma_wait3A_83 = tpu.memref_slice %arg6[%rem3A_74, %dma_wait3A_81, %dma_wait3A_82] : memref<3x256x128xf32, #tpu.memory_space<vmem>> -> memref<1x256x128xf32, #tpu.memory_space<vmem>>
    %dma_wait3A_84 = tpu.memref_squeeze %dma_wait3A_83 : memref<1x256x128xf32, #tpu.memory_space<vmem>> -> memref<256x128xf32, #tpu.memory_space<vmem>>
    %dma_wait3A_85 = arith.constant 0 : i32
    %dma_wait3A_86 = tpu.memref_slice %arg4[%mul3A_80, %dma_wait3A_85] : memref<819200x128xf32, #tpu.memory_space<hbm>> -> memref<256x128xf32, #tpu.memory_space<hbm>>
    %dma_wait3A_87 = arith.constant 0 : i32
    %dma_wait3A_88 = tpu.memref_slice %arg4[%mul3A_80, %dma_wait3A_87] : memref<819200x128xf32, #tpu.memory_space<hbm>> -> memref<256x128xf32, #tpu.memory_space<hbm>>
    %dma_wait3A_89 = arith.constant 0 : i32
    %dma_wait3A_90 = arith.constant 0 : i32
    %dma_wait3A_91 = tpu.memref_slice %arg6[%rem3A_74, %dma_wait3A_89, %dma_wait3A_90] : memref<3x256x128xf32, #tpu.memory_space<vmem>> -> memref<1x256x128xf32, #tpu.memory_space<vmem>>
    %dma_wait3A_92 = tpu.memref_squeeze %dma_wait3A_91 : memref<1x256x128xf32, #tpu.memory_space<vmem>> -> memref<256x128xf32, #tpu.memory_space<vmem>>
    tpu.wait_dma2 semaphore(%arg8 : memref<!tpu.dma_semaphore, #tpu.memory_space<semaphore_mem>>) src(%dma_wait3A_92 : memref<256x128xf32, #tpu.memory_space<vmem>>) dst(%dma_wait3A_88 : memref<256x128xf32, #tpu.memory_space<hbm>>)
    %rem3A_93 = arith.constant 99 : i32
    %rem3A_94 = arith.constant 3 : i32
    %rem3A_95 = arith.remsi %rem3A_93, %rem3A_94 : i32
    %mul3A_96 = arith.constant 100 : i32
    %mul3A_97 = arith.muli %add3A, %mul3A_96 : i32
    %add3A_98 = arith.constant 99 : i32
    %add3A_99 = arith.addi %mul3A_97, %add3A_98 : i32
    %mul3A_100 = arith.constant 256 : i32
    %mul3A_101 = arith.muli %add3A_99, %mul3A_100 : i32
    %dma_wait3A_102 = arith.constant 0 : i32
    %dma_wait3A_103 = arith.constant 0 : i32
    %dma_wait3A_104 = tpu.memref_slice %arg6[%rem3A_95, %dma_wait3A_102, %dma_wait3A_103] : memref<3x256x128xf32, #tpu.memory_space<vmem>> -> memref<1x256x128xf32, #tpu.memory_space<vmem>>
    %dma_wait3A_105 = tpu.memref_squeeze %dma_wait3A_104 : memref<1x256x128xf32, #tpu.memory_space<vmem>> -> memref<256x128xf32, #tpu.memory_space<vmem>>
    %dma_wait3A_106 = arith.constant 0 : i32
    %dma_wait3A_107 = tpu.memref_slice %arg4[%mul3A_101, %dma_wait3A_106] : memref<819200x128xf32, #tpu.memory_space<hbm>> -> memref<256x128xf32, #tpu.memory_space<hbm>>
    %dma_wait3A_108 = arith.constant 0 : i32
    %dma_wait3A_109 = tpu.memref_slice %arg4[%mul3A_101, %dma_wait3A_108] : memref<819200x128xf32, #tpu.memory_space<hbm>> -> memref<256x128xf32, #tpu.memory_space<hbm>>
    %dma_wait3A_110 = arith.constant 0 : i32
    %dma_wait3A_111 = arith.constant 0 : i32
    %dma_wait3A_112 = tpu.memref_slice %arg6[%rem3A_95, %dma_wait3A_110, %dma_wait3A_111] : memref<3x256x128xf32, #tpu.memory_space<vmem>> -> memref<1x256x128xf32, #tpu.memory_space<vmem>>
    %dma_wait3A_113 = tpu.memref_squeeze %dma_wait3A_112 : memref<1x256x128xf32, #tpu.memory_space<vmem>> -> memref<256x128xf32, #tpu.memory_space<vmem>>
    tpu.wait_dma2 semaphore(%arg8 : memref<!tpu.dma_semaphore, #tpu.memory_space<semaphore_mem>>) src(%dma_wait3A_113 : memref<256x128xf32, #tpu.memory_space<vmem>>) dst(%dma_wait3A_109 : memref<256x128xf32, #tpu.memory_space<hbm>>)
    return
  }
}

</mosaic_0001>

<sc_bundles>
// kernel: kernel.3.cloned.1.call-start
scs
__scs_entry_jumppad:
0x0: {  	(pc) =	sbr.rel $0x88, $3  }
0x1: {  	(tag) =	ssettag $0x0;
	lr =	simm.s32 $0x1  }
0x2: {  	[smem:$0x3F9F] =	sst lr;
	_ =	strace $0xD0000000  }
0x3: {  	_ = 	snop  }
0x4: {  	_ = 	snop  }
0x5: {  	_ = 	snop  }
0x6: {  	_ = 	snop  }
0x7: {  	_ = 	snop  }
__scs_overlays_trampoline_lowered:
0x8: {  	[smem:$0x3FAE] =	sst s0  }
0x9: {  	[smem:$0x3FAF] =	sst s1  }
0xa: {  	[smem:$0x3FB0] =	sst s2  }
0xb: {  	[smem:$0x3FB1] =	sst s3  }
0xc: {  	[smem:$0x3FB2] =	sst s4  }
0xd: {  	[smem:$0x3FB3] =	sst s5  }
0xe: {  	[smem:$0x3FB4] =	sst s6  }
0xf: {  	[smem:$0x3FB5] =	sst s7  }
0x10: {  	[smem:$0x3FB6] =	sst s8  }
0x11: {  	[smem:$0x3FB7] =	sst s9;
	s0 =	simm.s32 @!p0 $0x0  }
0x12: {  	s1 =	sld [smem:$0x3F9D];
	s0 =	simm.s32 @p0 $0x1  }
0x13: {  	[smem:$0x3FB8] =	sst s0;
	s0 =	simm.s32 @!p1 $0x0  }
0x14: {  	s2 =	sld [smem:$0x3F9C];
	s0 =	simm.s32 @p1 $0x1  }
0x15: {  	[smem:$0x3FB9] =	sst s0;
	s0 =	simm.s32 @!p2 $0x0  }
0x16: {  	s3 =	sld [smem:$0x3FDB];
	s0 =	simm.s32 @p2 $0x1  }
0x17: {  	s4 =	simm.s32 $0x1BF5;
	[smem:$0x3FBB] =	sst s0  }
0x18: {  	s0 =	sld [smem:$0x3F9E];
	_ =	swait.ge [sflag:s4], $0x0  }
0x19: {  	s7 =	sld [smem:$0x3F9F]  }
0x1a: {  	s8 =	sadd.s32 $0xFFFFE003, lr  }
0x1b: {  	s9 =	sadd.s32 $0xFFFFFEF7, lr;
	s5 =	simm.s32 $0xFFFFFFFF;
	p2 =	slt.u32 s8, $0xFFFFF086  }
0x1c: {  	p1 =	slt.u32 s9, $0xF7A;
	s5 =	simm.s32 @!p2 $0x0  }
0x1d: {  	s5 =	simm.s32 @p1 $0x1;
	p0 =	seq.s32 s7, s2  }
0x1e: {  	s7 =	smul.u32 @!p0 $0xF7A, s2;
	p2 =	seq.s32 @!p0 s5, $0x0  }
0x1f: {  	s9 =	smul.u32 $0xF7A, s1;
	s8 =	simm.s32 @!p0 $0x1BF5;
	p2 =	por !p2, p0  }
0x20: {  	[sflag:s8] =	ssyncset.s32 @!p0 $0xFFFFF086;
	s6 =	sadd.s32 @!p0 s3, s7;
	s7 =	simm.s32 @!p0 $0x108  }
0x21: {  	s3 =	sadd.s32 s3, s9;
	s6 =	sadd.s32 @!p0 $0x88, s6;
	s7 =	simm.s32 @p2 $0x1082  }
0x22: {  	[simem:s7], [sflag:s8] =	dma.local @!p0 [hbm:s6], $0xF7A  }
0x23: {  	s9 =	sor.u32 $0xD0000000, s2;
	s6 =	simm.s32 $0x108;
	_ =	swait.ge @!p0 [sflag:s8], $0x0  }
0x24: {  	s3 =	sadd.s32 $0x88, s3;
	s6 =	simm.s32 @!p1 $0x1082;
	[sflag:s4] =	ssyncset.s32 $0xFFFFF086  }
0x25: {  	[simem:s6], [sflag:s4] =	dma.local [hbm:s3], $0xF7A  }
0x26: {  	[smem:$0x3F9F] =	sst s1;
	(tag) =	ssettag s2;
	_ =	strace s9  }
0x27: {  	s1 =	sld [smem:$0x3FAF]  }
0x28: {  	s2 =	sld [smem:$0x3FB0]  }
0x29: {  	s4 =	sld [smem:$0x3FB2]  }
0x2a: {  	p0 =	seq.s32 s5, $0x0;
	s5 =	sld [smem:$0x3FB3]  }
0x2b: {  	s6 =	sld [smem:$0x3FB4]  }
0x2c: {  	s7 =	sld [smem:$0x3FB5]  }
0x2d: {  	s3 =	simm.s32 $0x108;
	s8 =	sld [smem:$0x3FB6]  }
0x2e: {  	s3 =	simm.s32 @!p0 $0x1082;
	s9 =	sld [smem:$0x3FB7]  }
0x2f: {  	lr =	sadd.s32 s0, s3;
	s0 =	sld [smem:$0x3FAE]  }
0x30: {  	s3 =	sld [smem:$0x3FB1]  }
0x31: {  	[smem:$0x3FBA] =	sst s10  }
0x32: {  	s10 =	sld [smem:$0x3FB8];
	_ =	sdelay $0x3  }
0x33: {  	p0 =	seq.s32 s10, $0x1;
	s10 =	sld [smem:$0x3FBA];
	_ =	sdelay $0x3  }
0x34: {  	[smem:$0x3FBA] =	sst s10  }
0x35: {  	s10 =	sld [smem:$0x3FB9];
	_ =	sdelay $0x3  }
0x36: {  	p1 =	seq.s32 s10, $0x1;
	s10 =	sld [smem:$0x3FBA];
	_ =	sdelay $0x3  }
0x37: {  	[smem:$0x3FBA] =	sst s10  }
0x38: {  	s10 =	sld [smem:$0x3FBB]  }
0x39: {  	_ = 	snop;
	(pc) =	sbr.ind lr, $3  }
0x3a: {  	_ = 	snop  }
0x3b: {  	_ = 	snop  }
0x3c: {  	p2 =	seq.s32 s10, $0x1;
	s10 =	sld [smem:$0x3FBA]  }
0x3d: {  	_ =	shalt  }
0x3e: {  	_ =	shalt  }
0x3f: {  	_ =	shalt  }
0x40: {  	_ =	shalt  }
0x41: {  	_ =	shalt  }
0x42: {  	_ =	shalt  }
0x43: {  	_ =	shalt  }
0x44: {  	_ =	shalt  }
0x45: {  	_ =	shalt  }
0x46: {  	_ =	shalt  }
0x47: {  	_ =	shalt  }
0x48: {  	_ =	shalt  }
0x49: {  	_ =	shalt  }
0x4a: {  	_ =	shalt  }
0x4b: {  	_ =	shalt  }
0x4c: {  	_ =	shalt  }
0x4d: {  	_ =	shalt  }
0x4e: {  	_ =	shalt  }
0x4f: {  	_ =	shalt  }
0x50: {  	_ =	shalt  }
0x51: {  	_ =	shalt  }
0x52: {  	_ =	shalt  }
0x53: {  	_ =	shalt  }
0x54: {  	_ =	shalt  }
0x55: {  	_ =	shalt  }
0x56: {  	_ =	shalt  }
0x57: {  	_ =	shalt  }
0x58: {  	_ =	shalt  }
0x59: {  	_ =	shalt  }
0x5a: {  	_ =	shalt  }
0x5b: {  	_ =	shalt  }
0x5c: {  	_ =	shalt  }
0x5d: {  	_ =	shalt  }
0x5e: {  	_ =	shalt  }
0x5f: {  	_ =	shalt  }
0x60: {  	_ =	shalt  }
0x61: {  	_ =	shalt  }
0x62: {  	_ =	shalt  }
0x63: {  	_ =	shalt  }
0x64: {  	_ =	shalt  }
0x65: {  	_ =	shalt  }
0x66: {  	_ =	shalt  }
0x67: {  	_ =	shalt  }
0x68: {  	_ =	shalt  }
0x69: {  	_ =	shalt  }
0x6a: {  	_ =	shalt  }
0x6b: {  	_ =	shalt  }
0x6c: {  	_ =	shalt  }
0x6d: {  	_ =	shalt  }
0x6e: {  	_ =	shalt  }
0x6f: {  	_ =	shalt  }
0x70: {  	_ =	shalt  }
0x71: {  	_ =	shalt  }
0x72: {  	_ =	shalt  }
0x73: {  	_ =	shalt  }
0x74: {  	_ =	shalt  }
0x75: {  	_ =	shalt  }
0x76: {  	_ =	shalt  }
0x77: {  	_ =	shalt  }
0x78: {  	_ =	shalt  }
0x79: {  	_ =	shalt  }
0x7a: {  	_ =	shalt  }
0x7b: {  	_ =	shalt  }
0x7c: {  	_ =	shalt  }
0x7d: {  	_ =	shalt  }
0x7e: {  	_ =	shalt  }
0x7f: {  	_ =	shalt  }
0x80: {  	_ =	shalt  }
0x81: {  	_ =	shalt  }
0x82: {  	_ =	shalt  }
0x83: {  	_ =	shalt  }
0x84: {  	_ =	shalt  }
0x85: {  	_ =	shalt  }
0x86: {  	_ =	shalt  }
0x87: {  	_ =	shalt  }
.Lfunc_end0:
.L_simem_size_0:
called_computation_lowered:
.L_overlay_start_0:
0x88: {  	s2 =	sld [smem:$0x3FD9]  }
0x89: {  	s3 =	sld [smem:$0x3FFE];
	_ =	sdelay $0x1  }
0x8a: {  	s1 =	srdreg.scid  }
0x8b: {  	s0 =	sand.u32 $0x1, s1  }
0x8c: {  	s17 =	sshll.u32 s0, $0xA;
	s2 =	sadd.s32 s3, s2  }
0x8d: {  	s2 =	sadd.s32 s2, s17  }
0x8e: {  	[smem:$0x3FC6] =	sst s2  }
0x8f: {  	_ = 	snop  }
0x90: {  	s2 =	sld [smem:$0x3FC8]  }
0x91: {  	s18 =	sld [smem:$0x3FD0];
	(tm) =	ssettm $0x1  }
0x92: {  	s4 =	sld [smem:$0x3FFB];
	_ =	sdelay $0x3  }
0x93: {  	_ =	strace s4  }
0x94: {  	s4 =	sld [smem:$0x3FFC];
	_ =	sdelay $0x3  }
0x95: {  	_ =	strace s4  }
0x96: {  	s4 =	sld [smem:$0x3FFD];
	_ =	sdelay $0x3  }
0x97: {  	_ =	strace s4  }
0x98: {  	_ =	strace $0x8FFFFFFF  }
0x99: {  	s19 =	sld [smem:$0x3FDB];
	_ =	sdelay $0x1  }
0x9a: {  	s5 =	simm.s32 $_scs_section_size  }
0x9b: {  	s6 =	simm.s32 $_size__tile_overlayer_lowered;
	s7 =	simm.s32 $_tile_overlayer_lowered  }
0x9c: {  	s22 =	simm.s32 $0x1BFF;
	s21 =	sshll.u32 s7, $0x1;
	s4 =	sadd.s32 s5, s19  }
0x9d: {  	s8 =	simm.s32 $0x0;
	s20 =	sshll.u32 s6, $0x1;
	s6 =	sadd.s32 s21, s4  }
0x9e: {  	[timem:s8], [sflag:s22] =	dma.local [hbm:s6], s20  }
0x9f: {  	_ =	swait.ge [sflag:s22], s20  }
0xa0: {  	s5 =	ssub.s32 $0x0, s20;
	[sflag:s22] =	ssyncset.done $0x0  }
0xa1: {  	[sflag:s22] =	ssyncadd.s32 s5;
	_ =	sdelay $0x1  }
0xa2: {  	s23 =	simm.s32 $0x1B8B  }
0xa3: {  	_ =	swait.ge [sflag:s23], $0x1  }
0xa4: {  	[sflag:s23] =	ssyncset.done $0x0  }
0xa5: {  	s25 =	simm.s32 $0x1B8E;
	s24 =	sld [smem:$0x3FFE];
	[sflag:s23] =	ssyncadd.s32 $0xFFFFFFFF  }
0xa6: {  	s26 =	simm.s32 $execute0_lowered;
	[smem:$0x3FD2] =	sst s25  }
0xa7: {  	s6 =	sshll.u32 s26, $0x1;
	_ =	strace $0x80000046;
	[dreg:$0x1] =	wrdreg $0xFFFFFFFF  }
0xa8: {  	s28 =	simm.s32 $_size_execute0_lowered;
	s4 =	sadd.s32 s4, s6;
	[dreg:$0x0] =	wrdreg $0x0  }
0xa9: {  	s6 =	sshll.u32 s28, $0x1;
	[dreg:$0x2] =	wrdreg s4  }
0xaa: {  	[dreg:$0x3] =	wrdreg s6  }
0xab: {  	[dreg:$0x4] =	wrdreg $0xC0  }
0xac: {  	_ =	task [dreg:s8], $0x5FFFF  }
0xad: {  	[dreg:$0x1] =	wrdreg $0xFFFFFFFF  }
0xae: {  	[dreg:$0x0] =	wrdreg $0x60  }
0xaf: {  	[dreg:$0x2] =	wrdreg s24  }
0xb0: {  	[dreg:$0x3] =	wrdreg s2  }
0xb1: {  	[dreg:$0x4] =	wrdreg s18  }
0xb2: {  	[dreg:$0x5] =	wrdreg $0x9  }
0xb3: {  	_ =	task.clear_ibuf [dreg:s8], $0x6FFFF;
	_ =	strace $0x90000046  }
0xb4: {  	s29 =	simm.s32 $0x9;
	_ =	strace $0x80000048  }
0xb5: {  	_ =	swait.ge [sflag:s29], $0x1  }
0xb6: {  	[sflag:s29] =	ssyncadd.s32 $0xFFFFFFFF  }
0xb7: {  	_ =	strace $0x90000048  }
0xb8: {  	_ =	sfence  }
0xb9: {  	s30 =	sld [smem:$0x0];
	_ =	sdelay $0x2  }
0xba: {  	s31 =	sshll.u32 s1, $0xD;
	s1 =	sshrl.u32 s1, $0x2  }
0xbb: {  	s3 =	sand.u32 $0x4000, s31;
	s1 =	sadd.s32 s1, s30  }
0xbc: {  	s0 =	sor.u32 s3, s0;
	s1 =	sshll.u32 s1, $0x11  }
0xbd: {  	s0 =	sor.u32 s1, s0  }
0xbe: {  	s0 =	sadd.s32 $0x8F2B, s0  }
0xbf: {  	[sflag:s0] =	ssyncadd.remote.s32 $0x1  }
0xc0: {  	_ =	sfence.sel $0xFFFF  }
0xc1: {  	[dreg:$0x0] =	wrdreg $0xFFFFFFFF;
	(pc) =	sbr.abs _section_cstart, $3  }
0xc2: {  	[dreg:$0x1] =	wrdreg $0xFFFFFFFF  }
0xc3: {  	_ =	task.clear_ibuf [dreg:s8], $0x2FFFF;
	_ =	strace $0x9FFFFFFF  }
0xc4: {  	(tm) =	ssettm $0x7FFFFFFF  }
0xc5: {  	_ =	shalt  }
tec
execute0_lowered:
.L_overlay_start_1:
0x0: {  	(tag) =	ssettag $0x1  }
0x1: {  	s4 =	rddreg [dreg:$0x0]  }
0x2: {  	s1 =	srdreg.scid;
	s2 =	rddreg [dreg:$0x1]  }
0x3: {  	s0 =	stileid.u32;
	s6 =	rddreg [dreg:$0x2];
	s3 =	simm.s32 $0x0  }
0x4: {  	s11 =	simm.s32 $0xA400;
	s12 =	simm.s32 $0x1;
	s8 =	smul.u32 $0xC8, s0  }
0x5: {  	s13 =	simm.s32 $0x2;
	s5 =	sand.u32 $0x1, s1;
	s29 =	smul.u32 $0xC8000, s0  }
0x6: {  	s14 =	simm.s32 $0x0;
	s26 =	sshll.u32 s0, $0x1;
	s10 =	smul.u32 $0x64, s5  }
0x7: {  	[smem:$0x7FF] =	sst s3;
	s1 =	sor.u32 s5, s26;
	s30 =	smul.u32 $0x64000, s5  }
0x8: {  	s9 =	ssub.s32 $0x2, s5;
	s7 =	smul.u32 $0xC80, s1;
	s1 =	rddreg [dreg:$0x3]  }
0x9: {  	_ =	strace $0x80000047;
	s28 =	sshrl.u32 s9, $0x1;
	s31 =	sadd.s32 s29, s6  }
0xa: {  	s8 =	sadd.s32 s10, s8;
	s10 =	simm.s32 $0x6400;
	s4 =	sadd.s32 s7, s4  }
0xb: {  	s7 =	ssub.s32 s9, s28;
	s8 =	sshll.u32 s8, $0xC;
	s9 =	simm.s32 $0x80  }
0xc: {  	s4 =	sadd.s32 $0x400, s4;
	s5 =	smax.u32 s7, $0x1;
	s8 =	sadd.s32 s8, s6  }
0xd: {  	s6 =	sadd.s32 s30, s31;
	s7 =	sadd.s32 $0x1000, s8;
	s8 =	simm.s32 $0x3  }
.LBB2_1:
0xe: {  	[tilespmem:s3], [sflag:$0x3] =	stream.linear.gather [hbm4b:s4+s3], $0x6400, $0x38;
	[tilespmem:$0x1E400] =	vst v63  }
0xf: {  	s19 =	simm.s32 $0x0  }
0x10: {  	_ =	swait.ge [sflag:s8], $0x6400;
	s15 =	smul.u32 $0xAB, s19  }
0x11: {  	[sflag:s8] =	ssyncset.done $0x0  }
0x12: {  	s24 =	simm.s32 $0x1;
	[sflag:s8] =	ssyncadd.s32 $0xFFFF9C00;
	s15 =	sshrl.u32 s15, $0x9  }
0x13: {  	[tilespmem:s10], [sflag:$0x1] =	stream.indirect.gather [hbm4b:s2+s9], $0x80, s3, s9, $0xb8;
	[tilespmem:$0x1E400] =	vst v63  }
0x14: {  	s17 =	smul.u32 $0xAB, s24;
	s15 =	sand.u32 $0x7F, s15  }
0x15: {  	p2 =	por $0x1, $0x1;
	s15 =	smul.u32 $0x3, s15  }
.Ltmp0:
0x16: {  	s23 =	simm.s32 $0x100;
	(pc) =	sbr.rel @!p2 .LBB2_2-.Ltmp0, $4  }
0x17: {  	[tilespmem:s11], [sflag:$0x1] =	stream.indirect.gather [hbm4b:s2+s9], $0x80, s9, s9, $0xb8;
	[tilespmem:$0x1E400] =	vst v63  }
0x18: {  	p1 =	por $0x1, $0x1;
	s31 =	sshrl.u32 s17, $0x9;
	s15 =	ssub.s32 $0x0, s15  }
0x19: {  	p0 =	por $0x0, $0x0;
	s28 =	sand.u32 $0x7F, s31;
	s16 =	sand.u32 $0xFF, s15  }
0x1a: {  	s15 =	simm.s32 $0x280;
	s21 =	sshll.u32 s16, $0xF;
	s16 =	simm.s32 $0x4  }
0x1b: {  	s17 =	smul.u32 $0x3, s28;
	_ =	sdelay $0x1  }
0x1c: {  	s18 =	simm.s32 @!p1 $0x2;
	s17 =	ssub.s32 $0x1, s17  }
0x1d: {  	s19 =	simm.s32 $0x2;
	_ =	swait.ge @!p1 [sflag:s18], $0x8000;
	s17 =	sand.u32 $0xFF, s17  }
0x1e: {  	p0 =	por $0x0, $0x0;
	[sflag:s18] =	ssyncset.done @!p1 $0x0;
	s17 =	sshll.u32 s17, $0xF  }
0x1f: {  	s22 =	simm.s32 $0x180;
	[sflag:s18] =	ssyncadd.s32 @!p1 $0xFFFF8000;
	s18 =	sor.u32 $0x6400, s17  }
0x20: {  	[tilespmem:s18], [sflag:$0x1] =	stream.indirect.gather [hbm4b:s2+s9], $0x80, s23, s9, $0xb8;
	[tilespmem:$0x1E400] =	vst v63  }
0x21: {  	s21 =	sor.u32 $0x6400, s21;
	s20 =	smul.u32 @!p0 $0xAB, s13;
	s17 =	sadd.s32 $0xA400, s17  }
0x22: {  	[tilespmem:s17], [sflag:$0x1] =	stream.indirect.gather [hbm4b:s2+s9], $0x80, s22, s9, $0xb8;
	[tilespmem:$0x1E400] =	vst v63  }
0x23: {  	p2 =	por $0x1, $0x1;
	s24 =	simm.s32 $0x3;
	_ =	swait.ge [sflag:s12], $0x4000  }
0x24: {  	s26 =	smov.u32 s7;
	s20 =	sshrl.u32 @!p0 s20, $0x9;
	[sflag:s12] =	ssyncset.done $0x0  }
0x25: {  	s30 =	smul.u32 $0xAB, s19;
	s20 =	sand.u32 @!p0 $0x7F, s20;
	[sflag:s12] =	ssyncadd.s32 $0xFFFFC000  }
0x26: {  	p1 =	por @!p0 $0x1, $0x1;
	s20 =	smul.u32 @!p0 $0x3, s20;
	_ =	swait.ge [sflag:s12], $0x4000  }
0x27: {  	s31 =	smul.u32 $0xAB, s24;
	p1 =	por p1, p0;
	[sflag:s12] =	ssyncset.done $0x0  }
0x28: {  	s20 =	ssub.s32 @!p0 $0x2, s20;
	s17 =	sshrl.u32 s30, $0x9;
	[sflag:s12] =	ssyncadd.s32 $0xFFFFC000  }
0x29: {  	[hbm4b:s6+s3] =	stream.linear.scatter [tilespmem:s21], [sflag:$0x2], $0x8000, $0x38;
	[tilespmem:$0x1E400] =	vst v63  }
0x2a: {  	s20 =	sand.u32 @!p0 $0xFF, s20;
	s17 =	sand.u32 $0x7F, s17;
	s21 =	simm.s32 @!p1 $0x2  }
0x2b: {  	s20 =	sshll.u32 @!p0 s20, $0xF;
	s17 =	smul.u32 $0x3, s17;
	_ =	swait.ge @!p1 [sflag:s21], $0x8000  }
0x2c: {  	s23 =	simm.s32 @!p0 $0x80;
	s22 =	sor.u32 @!p0 $0x6400, s20;
	[sflag:s21] =	ssyncset.done @!p1 $0x0  }
0x2d: {  	s17 =	ssub.s32 $0x2, s17;
	[sflag:s21] =	ssyncadd.s32 @!p1 $0xFFFF8000;
	s21 =	simm.s32 @!p0 $0x200  }
0x2e: {  	[tilespmem:s22], [sflag:$0x1] =	stream.indirect.gather @!p0 [hbm4b:s2+s23], $0x80, s21, s23, $0xb8;
	[tilespmem:$0x1E400] =	vst v63  }
0x2f: {  	s20 =	sadd.s32 @!p0 $0xA400, s20;
	s17 =	sand.u32 $0xFF, s17;
	p1 =	por $0x0, $0x0  }
0x30: {  	[tilespmem:s20], [sflag:$0x1] =	stream.indirect.gather @!p0 [hbm4b:s2+s23], $0x80, s15, s23, $0xb8;
	[tilespmem:$0x1E400] =	vst v63  }
.Ltmp1:
0x31: {  	s21 =	sshll.u32 s17, $0xF;
	_ =	swait.ge [sflag:s12], $0x4000;
	(pc) =	sbr.rel @!p2 .LBB2_4-.Ltmp1, $4  }
0x32: {  	s17 =	sadd.s32 $0x2000, s7;
	s22 =	sshrl.u32 s31, $0x9;
	[sflag:s12] =	ssyncset.done $0x0  }
0x33: {  	s28 =	sand.u32 $0x7F, s22;
	s22 =	simm.s32 $0x6;
	[sflag:s12] =	ssyncadd.s32 $0xFFFFC000  }
0x34: {  	s15 =	simm.s32 $0x480;
	s23 =	simm.s32 $0x300;
	_ =	swait.ge [sflag:s12], $0x4000  }
0x35: {  	s20 =	sadd.s32 $0x2000, s6;
	p0 =	por $0x1, $0x1;
	[sflag:s12] =	ssyncset.done $0x0  }
.LBB2_5:
0x36: {  	s25 =	sadd.s32 $0xFFFFFFFE, s22;
	s28 =	smul.u32 $0x3, s28;
	[sflag:s12] =	ssyncadd.s32 $0xFFFFC000  }
0x37: {  	[hbm4b:s26+s3] =	stream.linear.scatter [tilespmem:s18], [sflag:$0x2], $0x8000, $0x38;
	[tilespmem:$0x1E400] =	vst v63  }
0x38: {  	s18 =	smul.u32 $0xAB, s25;
	s26 =	simm.s32 @!p1 $0x2;
	s24 =	ssub.s32 s24, s28  }
0x39: {  	p2 =	sgt.u32 s19, $0x61;
	_ =	swait.ge @!p1 [sflag:s26], $0x8000;
	s24 =	sand.u32 $0xFF, s24  }
0x3a: {  	s19 =	sshrl.u32 s18, $0x9;
	[sflag:s26] =	ssyncset.done @!p1 $0x0;
	s24 =	sshll.u32 s24, $0xF  }
0x3b: {  	[sflag:s26] =	ssyncadd.s32 @!p1 $0xFFFF8000;
	s18 =	sor.u32 $0x6400, s24;
	s26 =	smul.u32 @!p2 $0xAB, s16  }
0x3c: {  	[tilespmem:s18], [sflag:$0x1] =	stream.indirect.gather [hbm4b:s2+s9], $0x80, s23, s9, $0xb8;
	[tilespmem:$0x1E400] =	vst v63  }
0x3d: {  	s19 =	sand.u32 $0x7F, s19;
	s23 =	sadd.s32 $0xA400, s24;
	s24 =	sadd.s32 $0xFFFFFF00, s15  }
0x3e: {  	[tilespmem:s23], [sflag:$0x1] =	stream.indirect.gather [hbm4b:s2+s9], $0x80, s24, s9, $0xb8;
	[tilespmem:$0x1E400] =	vst v63  }
0x3f: {  	s19 =	smul.u32 $0x3, s19;
	s23 =	sshrl.u32 @!p2 s26, $0x9;
	_ =	swait.ge [sflag:s12], $0x4000  }
0x40: {  	p1 =	seq.s32 @!p2 s16, $0x2;
	s23 =	sand.u32 @!p2 $0x7F, s23;
	[sflag:s12] =	ssyncset.done $0x0  }
0x41: {  	s19 =	ssub.s32 s25, s19;
	s23 =	smul.u32 @!p2 $0x3, s23;
	[sflag:s12] =	ssyncadd.s32 $0xFFFFC000  }
0x42: {  	p1 =	por p1, p2;
	s19 =	sand.u32 $0xFF, s19;
	_ =	swait.ge [sflag:s12], $0x4000  }
0x43: {  	s24 =	sshll.u32 s19, $0xF;
	s16 =	ssub.s32 @!p2 s16, s23;
	[sflag:s12] =	ssyncset.done $0x0  }
0x44: {  	s19 =	sor.u32 $0x6400, s21;
	s16 =	sand.u32 @!p2 $0xFF, s16;
	[sflag:s12] =	ssyncadd.s32 $0xFFFFC000  }
0x45: {  	[hbm4b:s20+s3] =	stream.linear.scatter [tilespmem:s19], [sflag:$0x2], $0x8000, $0x38;
	[tilespmem:$0x1E400] =	vst v63  }
0x46: {  	p3 =	slt.u32 s25, $0x62;
	s23 =	simm.s32 @!p1 $0x2;
	s16 =	sshll.u32 @!p2 s16, $0xF  }
0x47: {  	s26 =	sor.u32 @!p2 $0x6400, s16;
	s28 =	sadd.s32 @!p2 $0xA400, s16;
	_ =	swait.ge @!p1 [sflag:s23], $0x8000  }
0x48: {  	s21 =	smov.u32 s24;
	s19 =	smov.u32 s25;
	[sflag:s23] =	ssyncset.done @!p1 $0x0  }
0x49: {  	s16 =	sadd.s32 @!p2 $0xFFFFFF80, s15;
	[sflag:s23] =	ssyncadd.s32 @!p1 $0xFFFF8000;
	s23 =	simm.s32 @!p2 $0x80  }
0x4a: {  	[tilespmem:s26], [sflag:$0x1] =	stream.indirect.gather @!p2 [hbm4b:s2+s23], $0x80, s16, s23, $0xb8;
	[tilespmem:$0x1E400] =	vst v63  }
0x4b: {  	s24 =	sadd.s32 $0xFFFFFFFF, s22;
	s26 =	smov.u32 s17;
	s16 =	smov.u32 s22  }
0x4c: {  	[tilespmem:s28], [sflag:$0x1] =	stream.indirect.gather @!p2 [hbm4b:s2+s23], $0x80, s15, s23, $0xb8;
	[tilespmem:$0x1E400] =	vst v63  }
.Ltmp2:
0x4d: {  	s17 =	sadd.s32 $0x2000, s17;
	_ =	swait.ge [sflag:s12], $0x4000;
	(pc) =	sbr.rel @p3 .LBB2_5-.Ltmp2, $4  }
0x4e: {  	s25 =	smul.u32 $0xAB, s24;
	s15 =	sadd.s32 $0x200, s15;
	[sflag:s12] =	ssyncset.done $0x0  }
0x4f: {  	s20 =	sadd.s32 $0x2000, s20;
	s23 =	sadd.s32 $0xFFFFFE80, s15;
	[sflag:s12] =	ssyncadd.s32 $0xFFFFC000  }
0x50: {  	s25 =	sshrl.u32 s25, $0x9;
	p1 =	seq.s32 s22, $0x2;
	_ =	swait.ge [sflag:s12], $0x4000  }
0x51: {  	s22 =	sadd.s32 $0x2, s22;
	s28 =	sand.u32 $0x7F, s25;
	[sflag:s12] =	ssyncset.done $0x0  }
.LBB2_6:
0x52: {  	s22 =	smul.u32 $0x3, s28;
	[sflag:s12] =	ssyncadd.s32 @p0 $0xFFFFC000  }
0x53: {  	[hbm4b:s26+s3] =	stream.linear.scatter @p0 [tilespmem:s18], [sflag:$0x2], $0x8000, $0x38;
	[tilespmem:$0x1E400] =	vst v63  }
0x54: {  	s18 =	simm.s32 @!p1 $0x2;
	s22 =	ssub.s32 s24, s22  }
0x55: {  	_ =	swait.ge @!p1 [sflag:s18], $0x8000;
	s22 =	sand.u32 $0xFF, s22  }
0x56: {  	[sflag:s18] =	ssyncset.done @!p1 $0x0;
	s22 =	sshll.u32 s22, $0xF  }
0x57: {  	p0 =	sgt.u32 s19, $0x61;
	[sflag:s18] =	ssyncadd.s32 @!p1 $0xFFFF8000;
	s29 =	sor.u32 $0x6400, s22  }
0x58: {  	[tilespmem:s29], [sflag:$0x1] =	stream.indirect.gather [hbm4b:s2+s9], $0x80, s23, s9, $0xb8;
	[tilespmem:$0x1E400] =	vst v63  }
0x59: {  	s30 =	sadd.s32 $0xFFFFFF00, s15;
	s19 =	smul.u32 @!p0 $0xAB, s16;
	s22 =	sadd.s32 $0xA400, s22  }
0x5a: {  	[tilespmem:s22], [sflag:$0x1] =	stream.indirect.gather [hbm4b:s2+s9], $0x80, s30, s9, $0xb8;
	[tilespmem:$0x1E400] =	vst v63  }
0x5b: {  	_ =	swait.ge [sflag:s12], $0x4000  }
0x5c: {  	s19 =	sshrl.u32 @!p0 s19, $0x9;
	[sflag:s12] =	ssyncset.done $0x0  }
0x5d: {  	s19 =	sand.u32 @!p0 $0x7F, s19;
	[sflag:s12] =	ssyncadd.s32 $0xFFFFC000  }
0x5e: {  	p1 =	seq.s32 @!p0 s16, $0x2;
	s19 =	smul.u32 @!p0 $0x3, s19;
	_ =	swait.ge [sflag:s12], $0x4000  }
0x5f: {  	s31 =	sor.u32 $0x6400, s21;
	p1 =	por p1, p0;
	[sflag:s12] =	ssyncset.done $0x0  }
0x60: {  	s16 =	ssub.s32 @!p0 s16, s19;
	s19 =	simm.s32 @!p1 $0x2;
	[sflag:s12] =	ssyncadd.s32 $0xFFFFC000  }
0x61: {  	[hbm4b:s20+s3] =	stream.linear.scatter [tilespmem:s31], [sflag:$0x2], $0x8000, $0x38;
	[tilespmem:$0x1E400] =	vst v63  }
0x62: {  	s16 =	sand.u32 @!p0 $0xFF, s16;
	_ =	swait.ge @!p1 [sflag:s19], $0x8000  }
0x63: {  	s21 =	simm.s32 @!p0 $0x80;
	s16 =	sshll.u32 @!p0 s16, $0xF;
	[sflag:s19] =	ssyncset.done @!p1 $0x0  }
0x64: {  	s20 =	sor.u32 @!p0 $0x6400, s16;
	[sflag:s19] =	ssyncadd.s32 @!p1 $0xFFFF8000;
	s19 =	sadd.s32 @!p0 $0xFFFFFF80, s15  }
0x65: {  	[tilespmem:s20], [sflag:$0x1] =	stream.indirect.gather @!p0 [hbm4b:s2+s21], $0x80, s19, s21, $0xb8;
	[tilespmem:$0x1E400] =	vst v63  }
0x66: {  	s16 =	sadd.s32 @!p0 $0xA400, s16  }
0x67: {  	[tilespmem:s16], [sflag:$0x1] =	stream.indirect.gather @!p0 [hbm4b:s2+s21], $0x80, s15, s21, $0xb8;
	[tilespmem:$0x1E400] =	vst v63  }
0x68: {  	_ =	swait.ge [sflag:s12], $0x4000  }
0x69: {  	[sflag:s12] =	ssyncset.done $0x0  }
0x6a: {  	[sflag:s12] =	ssyncadd.s32 $0xFFFFC000  }
0x6b: {  	_ =	swait.ge [sflag:s12], $0x4000  }
0x6c: {  	[sflag:s12] =	ssyncset.done $0x0  }
0x6d: {  	[sflag:s12] =	ssyncadd.s32 $0xFFFFC000  }
0x6e: {  	[hbm4b:s17+s3] =	stream.linear.scatter [tilespmem:s29], [sflag:$0x2], $0x8000, $0x38;
	[tilespmem:$0x1E400] =	vst v63  }
0x6f: {  	_ =	swait.ge [sflag:s13], $0x8000  }
0x70: {  	[sflag:s13] =	ssyncset.done $0x0  }
0x71: {  	s14 =	sadd.s32 $0x1, s14;
	[sflag:s13] =	ssyncadd.s32 $0xFFFF8000  }
0x72: {  	p0 =	sne.s32 s14, s5;
	_ =	swait.ge [sflag:s13], $0x8000  }
.Ltmp3:
0x73: {  	[sflag:s13] =	ssyncset.done $0x0;
	(pc) =	sbr.rel @p0 .LBB2_1-.Ltmp3, $4  }
.Ltmp4:
0x74: {  	[sflag:s13] =	ssyncadd.s32 $0xFFFF8000;
	(pc) =	sbr.rel @!p0 .LBB2_7-.Ltmp4, $4  }
0x75: {  	_ =	swait.ge [sflag:s13], $0x8000  }
0x76: {  	[sflag:s13] =	ssyncset.done $0x0  }
0x77: {  	[sflag:s13] =	ssyncadd.s32 $0xFFFF8000  }
0x78: {  	_ = 	snop  }
.LBB2_2:
.Ltmp5:
0x79: {  	(pc) =	sbr.rel .LBB2_6-.Ltmp5, $2  }
0x7a: {  	_ =	sdelay $0x2  }
0x7b: {  	s16 =	simm.s32 $0x2;
	s20 =	smov.u32 s6;
	s17 =	smov.u32 s7  }
.LBB2_4:
.Ltmp6:
0x7c: {  	(pc) =	sbr.rel .LBB2_6-.Ltmp6, $2  }
0x7d: {  	_ =	sdelay $0x2  }
0x7e: {  	s26 =	smov.u32 s7  }
.LBB2_7:
0x7f: {  	_ =	sfence.sel $0x180000  }
0x80: {  	[bflag:$0x0] =	sbarrier.arrive $0xFFFF  }
0x81: {  	p0 =	sne.s32 s0, $0x0;
	_ =	strace $0x90000047  }
0x82: {  	s0 =	sadd.s32 @!p0 $0x100000, s1;
	[bflag:$0x2] =	sbarrier.arrive $0xFFFF  }
0x83: {  	[sflag:s0] =	ssyncadd.tile.s32 @!p0 $0x1;
	_ =	shalt  }
.Lfunc_end2:
_tile_overlayer_lowered:
.L_overlay_start_2:
0x84: {  	(tag) =	ssettag $0x2  }
0x85: {  	s0 =	rddreg [dreg:$0x0];
	s2 =	stileid.u32  }
0x86: {  	s1 =	rddreg [dreg:$0x1];
	p0 =	sne.s32 s2, $0x0  }
0x87: {  	s3 =	rddreg [dreg:$0x2];
	[bflag:$0x3] =	sbarrier.arrive $0xFFFF;
	s2 =	simm.s32 @!p0 $0x1C03  }
0x88: {  	[timem:s3], [sflag:s2] =	dma.local @!p0 [hbm:s0], s1  }
0x89: {  	s0 =	simm.s32 @!p0 $0x3  }
0x8a: {  	_ =	swait.ge @!p0 [sflag:s0], s1  }
0x8b: {  	s1 =	ssub.s32 @!p0 $0x0, s1;
	[sflag:s0] =	ssyncset.done @!p0 $0x0  }
0x8c: {  	[sflag:s0] =	ssyncadd.s32 @!p0 s1  }
0x8d: {  	[bflag:$0x3] =	sbarrier.arrive $0xFFFF  }
0x8e: {  	_ =	shalt  }

</sc_bundles>
